<compile_context>
chip_gen: v7x
topology: tpu7x:2x2x1
jax: 0.10.2.dev20260603
libtpu: 0.0.44.dev20260713+nightly
codegen_flags: <defaults>
</compile_context>

<pallas_src>
import jax
import jax.numpy as jnp
from jax import lax
from jax.experimental import pallas as pl
from jax.experimental.pallas import tpu as pltpu, tpu_sc as plsc

_CHUNK_ROWS = 1000


def _make_sc_kernel(rows, cols):
    mesh = plsc.VectorSubcoreMesh(core_axis_name="c", subcore_axis_name="s")
    num_workers = mesh.num_cores * mesh.num_subcores
    n_chunks = rows // _CHUNK_ROWS
    assert n_chunks * _CHUNK_ROWS == rows
    chunks_per_worker = (n_chunks + num_workers - 1) // num_workers

    def body(x_hbm, ct_hbm, idx_hbm, out_hbm, buf, ct_v, idx_v16,
             sem, row_sem):
        w = lax.axis_index("s") * mesh.num_cores + lax.axis_index("c")

        def chunk_body(i, carry):
            c = w + i * num_workers

            @pl.when(c < n_chunks)
            def _():
                sl = pl.ds(c * _CHUNK_ROWS, _CHUNK_ROWS)
                pltpu.async_copy(x_hbm.at[sl, :], buf, sem).wait()
                pltpu.async_copy(buf, out_hbm.at[sl, :], sem).wait()

            return carry

        lax.fori_loop(0, chunks_per_worker, chunk_body, 0)

        pltpu.async_copy(idx_hbm, idx_v16.at[pl.ds(0, 1)], row_sem).wait()
        idx = idx_v16[...][0]
        owner = (idx // _CHUNK_ROWS) % num_workers

        @pl.when(w == owner)
        def _():
            pltpu.async_copy(ct_hbm, ct_v, row_sem).wait()
            pltpu.async_copy(ct_v, out_hbm.at[pl.ds(idx, 1), :], row_sem).wait()

    return pl.kernel(
        body,
        out_type=jax.ShapeDtypeStruct((rows, cols), jnp.float32),
        mesh=mesh,
        scratch_types=[
            pltpu.VMEM((_CHUNK_ROWS, cols), jnp.float32),
            pltpu.VMEM((1, cols), jnp.float32),
            pltpu.VMEM((16,), jnp.int32),
            pltpu.SemaphoreType.DMA,
            pltpu.SemaphoreType.DMA,
        ],
    )


def kernel(x, copy_tensor, indices):
    rows, cols = x.shape
    return _make_sc_kernel(rows, cols)(x, copy_tensor, indices)

# --- scband reference (transcript-rebuilt; emitter-appended) ---
"""Pipeline reference for scband-index-copy-module-70351564308671 (READ-ONLY COPY).

The authoritative reference and input builder live on the scoring server;
editing this copy changes nothing except your own understanding.
"""

import jax, jax.numpy as jnp
import numpy as np


def setup_inputs(seed: int = 0) -> dict:
    key = jax.random.key(seed)
    x = jax.random.normal(key, (1000000, 64), dtype=jnp.float32)
    # Buffers from __init__(i=1000000, j=64)
    copy_tensor = jnp.ones((1, 64), dtype=jnp.float32)
    indices = jnp.array([0], dtype=jnp.int32)
    return {"x": x, "copy_tensor": copy_tensor, "indices": indices}


def reference(x, copy_tensor, indices):
    # torch: x.index_copy_(0, indices, copy_tensor) -> scatter-overwrite rows
    return x.at[indices].set(copy_tensor)

if __name__ == "__main__":
    import jax
    _d = setup_inputs()
    print(jax.jit(kernel)(*tuple(_d.values())))

</pallas_src>

<mosaic_0001>
#map = affine_map<(d0, d1) -> (0, 0)>
#map1 = affine_map<(d0, d1) -> (0)>
module attributes {stable_mosaic.version = 14 : i64} {
  func.func @body(%arg0: i32, %arg1: i32, %arg2: memref<1000000x64xf32, #tpu.memory_space<hbm>>, %arg3: memref<1x64xf32, #tpu.memory_space<hbm>>, %arg4: memref<1xi32, #tpu.memory_space<hbm>>, %arg5: memref<1000000x64xf32, #tpu.memory_space<hbm>>, %arg6: memref<1000x64xf32, #tpu.memory_space<vmem>>, %arg7: memref<1x64xf32, #tpu.memory_space<vmem>>, %arg8: memref<16xi32, #tpu.memory_space<vmem>>, %arg9: memref<!tpu.dma_semaphore, #tpu.memory_space<semaphore_mem>>, %arg10: memref<!tpu.dma_semaphore, #tpu.memory_space<semaphore_mem>>) attributes {dimension_semantics = [#tpu.dimension_semantics<core_parallel>, #tpu.dimension_semantics<subcore_parallel>], iteration_bounds = array<i64: 2, 16>, scalar_prefetch = 0 : i64, scratch_operands = 5 : i64, tpu.core_type = #tpu.core_type<sc_vector_subcore>, window_params = [{transform_indices = #map}, {transform_indices = #map}, {transform_indices = #map1}, {transform_indices = #map}]} {
    %mul3A = arith.constant 2 : i32
    %mul3A_0 = arith.muli %arg1, %mul3A : i32
    %add3A = arith.addi %mul3A_0, %arg0 : i32
    %scan3A = arith.constant 0 : i32
    %scan3A_1 = arith.constant 0 : i32
    %scan3A_2 = arith.constant 32 : i32
    %scan3A_3 = arith.addi %scan3A_1, %scan3A_2 : i32
    %scan3A_4 = arith.constant 1 : i32
    scf.for %scan3A_46 = %scan3A_1 to %scan3A_3 step %scan3A_4  : i32 {
      %mul3A_47 = arith.constant 32 : i32
      %mul3A_48 = arith.muli %scan3A_46, %mul3A_47 : i32
      %add3A_49 = arith.addi %add3A, %mul3A_48 : i32
      %lt3A_50 = arith.constant 1000 : i32
      %lt3A_51 = arith.cmpi slt, %add3A_49, %lt3A_50 : i32
      %convert_element_type3A_52 = arith.extui %lt3A_51 : i1 to i32
      %cond3A_53 = arith.constant 0 : i32
      %cond3A_54 = arith.cmpi ne, %convert_element_type3A_52, %cond3A_53 : i32
      scf.if %cond3A_54 {
        %mul3A_55 = arith.constant 1000 : i32
        %mul3A_56 = arith.muli %add3A_49, %mul3A_55 : i32
        %dma_start3A_57 = arith.constant 0 : i32
        %dma_start3A_58 = tpu.memref_slice %arg2[%mul3A_56, %dma_start3A_57] : memref<1000000x64xf32, #tpu.memory_space<hbm>> -> memref<1000x64xf32, #tpu.memory_space<hbm>>
        %dma_start3A_59 = arith.constant 0 : i32
        %dma_start3A_60 = tpu.memref_slice %arg2[%mul3A_56, %dma_start3A_59] : memref<1000000x64xf32, #tpu.memory_space<hbm>> -> memref<1000x64xf32, #tpu.memory_space<hbm>>
        tpu.enqueue_dma source(%dma_start3A_60 : memref<1000x64xf32, #tpu.memory_space<hbm>>) target(%arg6 : memref<1000x64xf32, #tpu.memory_space<vmem>>) target_semaphore(%arg9 : memref<!tpu.dma_semaphore, #tpu.memory_space<semaphore_mem>>)
        %dma_wait3A_61 = arith.constant 0 : i32
        %dma_wait3A_62 = tpu.memref_slice %arg2[%mul3A_56, %dma_wait3A_61] : memref<1000000x64xf32, #tpu.memory_space<hbm>> -> memref<1000x64xf32, #tpu.memory_space<hbm>>
        %dma_wait3A_63 = arith.constant 0 : i32
        %dma_wait3A_64 = tpu.memref_slice %arg2[%mul3A_56, %dma_wait3A_63] : memref<1000000x64xf32, #tpu.memory_space<hbm>> -> memref<1000x64xf32, #tpu.memory_space<hbm>>
        tpu.wait_dma2 semaphore(%arg9 : memref<!tpu.dma_semaphore, #tpu.memory_space<semaphore_mem>>) src(%dma_wait3A_64 : memref<1000x64xf32, #tpu.memory_space<hbm>>) dst(%arg6 : memref<1000x64xf32, #tpu.memory_space<vmem>>)
        %dma_start3A_65 = arith.constant 0 : i32
        %dma_start3A_66 = tpu.memref_slice %arg5[%mul3A_56, %dma_start3A_65] : memref<1000000x64xf32, #tpu.memory_space<hbm>> -> memref<1000x64xf32, #tpu.memory_space<hbm>>
        %dma_start3A_67 = arith.constant 0 : i32
        %dma_start3A_68 = tpu.memref_slice %arg5[%mul3A_56, %dma_start3A_67] : memref<1000000x64xf32, #tpu.memory_space<hbm>> -> memref<1000x64xf32, #tpu.memory_space<hbm>>
        tpu.enqueue_dma source(%arg6 : memref<1000x64xf32, #tpu.memory_space<vmem>>) target(%dma_start3A_68 : memref<1000x64xf32, #tpu.memory_space<hbm>>) target_semaphore(%arg9 : memref<!tpu.dma_semaphore, #tpu.memory_space<semaphore_mem>>)
        %dma_wait3A_69 = arith.constant 0 : i32
        %dma_wait3A_70 = tpu.memref_slice %arg5[%mul3A_56, %dma_wait3A_69] : memref<1000000x64xf32, #tpu.memory_space<hbm>> -> memref<1000x64xf32, #tpu.memory_space<hbm>>
        %dma_wait3A_71 = arith.constant 0 : i32
        %dma_wait3A_72 = tpu.memref_slice %arg5[%mul3A_56, %dma_wait3A_71] : memref<1000000x64xf32, #tpu.memory_space<hbm>> -> memref<1000x64xf32, #tpu.memory_space<hbm>>
        tpu.wait_dma2 semaphore(%arg9 : memref<!tpu.dma_semaphore, #tpu.memory_space<semaphore_mem>>) src(%arg6 : memref<1000x64xf32, #tpu.memory_space<vmem>>) dst(%dma_wait3A_72 : memref<1000x64xf32, #tpu.memory_space<hbm>>)
      } else {
      }
    }
    %scan3A_5 = arith.constant 32 : i32
    %dma_start3A = arith.constant 0 : i32
    %dma_start3A_6 = tpu.memref_slice %arg8[%dma_start3A] : memref<16xi32, #tpu.memory_space<vmem>> -> memref<1xi32, #tpu.memory_space<vmem>>
    %dma_start3A_7 = arith.constant 0 : i32
    %dma_start3A_8 = tpu.memref_slice %arg8[%dma_start3A_7] : memref<16xi32, #tpu.memory_space<vmem>> -> memref<1xi32, #tpu.memory_space<vmem>>
    tpu.enqueue_dma source(%arg4 : memref<1xi32, #tpu.memory_space<hbm>>) target(%dma_start3A_8 : memref<1xi32, #tpu.memory_space<vmem>>) target_semaphore(%arg10 : memref<!tpu.dma_semaphore, #tpu.memory_space<semaphore_mem>>)
    %dma_wait3A = arith.constant 0 : i32
    %dma_wait3A_9 = tpu.memref_slice %arg8[%dma_wait3A] : memref<16xi32, #tpu.memory_space<vmem>> -> memref<1xi32, #tpu.memory_space<vmem>>
    %dma_wait3A_10 = arith.constant 0 : i32
    %dma_wait3A_11 = tpu.memref_slice %arg8[%dma_wait3A_10] : memref<16xi32, #tpu.memory_space<vmem>> -> memref<1xi32, #tpu.memory_space<vmem>>
    tpu.wait_dma2 semaphore(%arg10 : memref<!tpu.dma_semaphore, #tpu.memory_space<semaphore_mem>>) src(%arg4 : memref<1xi32, #tpu.memory_space<hbm>>) dst(%dma_wait3A_11 : memref<1xi32, #tpu.memory_space<vmem>>)
    %get3A = arith.constant 0 : index
    %get3A_12 = tpu.vector_load %arg8[%get3A] {strides = array<i32>} : memref<16xi32, #tpu.memory_space<vmem>>, vector<16xi32>,
    %get3A_13 = vector.shape_cast %get3A_12 : vector<16xi32> to vector<16xi32>
    %slice3A = vector.extract_strided_slice %get3A_13 {offsets = [0], sizes = [1], strides = [1]} : vector<16xi32> to vector<1xi32>
    %squeeze3A = vector.extract %slice3A[0] : i32 from vector<1xi32>
    %jit3A = arith.constant 1000 : i32
    %div3A = arith.divsi %squeeze3A, %jit3A : i32
    %sign3A = arith.constant 0 : i32
    %sign3A_14 = arith.cmpi sgt, %squeeze3A, %sign3A : i32
    %sign3A_15 = arith.extui %sign3A_14 : i1 to i32
    %sign3A_16 = arith.constant 0 : i32
    %sign3A_17 = arith.cmpi slt, %squeeze3A, %sign3A_16 : i32
    %sign3A_18 = arith.extui %sign3A_17 : i1 to i32
    %sign3A_19 = arith.subi %sign3A_15, %sign3A_18 : i32
    %sign3A_20 = arith.constant 0 : i32
    %sign3A_21 = arith.cmpi sgt, %jit3A, %sign3A_20 : i32
    %sign3A_22 = arith.extui %sign3A_21 : i1 to i32
    %sign3A_23 = arith.constant 0 : i32
    %sign3A_24 = arith.cmpi slt, %jit3A, %sign3A_23 : i32
    %sign3A_25 = arith.extui %sign3A_24 : i1 to i32
    %sign3A_26 = arith.subi %sign3A_22, %sign3A_25 : i32
    %ne3A = arith.cmpi ne, %sign3A_19, %sign3A_26 : i32
    %rem3A = arith.remsi %squeeze3A, %jit3A : i32
    %ne3A_27 = arith.constant 0 : i32
    %ne3A_28 = arith.cmpi ne, %rem3A, %ne3A_27 : i32
    %and3A = arith.andi %ne3A, %ne3A_28 : i1
    %sub3A = arith.constant 1 : i32
    %sub3A_29 = arith.subi %div3A, %sub3A : i32
    %select_n3A = arith.select %and3A, %sub3A_29, %div3A : i32
    %jit3A_30 = arith.constant 32 : i32
    %eq3A = arith.constant 0 : i32
    %eq3A_31 = arith.cmpi eq, %jit3A_30, %eq3A : i32
    %jit3A_32 = arith.constant 1 : i32
    %select_n3A_33 = arith.select %eq3A_31, %jit3A_32, %jit3A_30 : i32
    %rem3A_34 = arith.remsi %select_n3A, %select_n3A_33 : i32
    %ne3A_35 = arith.constant 0 : i32
    %ne3A_36 = arith.cmpi ne, %rem3A_34, %ne3A_35 : i32
    %lt3A = arith.constant 0 : i32
    %lt3A_37 = arith.cmpi slt, %rem3A_34, %lt3A : i32
    %lt3A_38 = arith.constant 0 : i32
    %lt3A_39 = arith.cmpi slt, %select_n3A_33, %lt3A_38 : i32
    %ne3A_40 = arith.xori %lt3A_37, %lt3A_39 : i1
    %and3A_41 = arith.andi %ne3A_40, %ne3A_36 : i1
    %add3A_42 = arith.addi %rem3A_34, %select_n3A_33 : i32
    %select_n3A_43 = arith.select %and3A_41, %add3A_42, %rem3A_34 : i32
    %eq3A_44 = arith.cmpi eq, %add3A, %select_n3A_43 : i32
    %convert_element_type3A = arith.extui %eq3A_44 : i1 to i32
    %cond3A = arith.constant 0 : i32
    %cond3A_45 = arith.cmpi ne, %convert_element_type3A, %cond3A : i32
    scf.if %cond3A_45 {
      tpu.enqueue_dma source(%arg3 : memref<1x64xf32, #tpu.memory_space<hbm>>) target(%arg7 : memref<1x64xf32, #tpu.memory_space<vmem>>) target_semaphore(%arg10 : memref<!tpu.dma_semaphore, #tpu.memory_space<semaphore_mem>>)
      tpu.wait_dma2 semaphore(%arg10 : memref<!tpu.dma_semaphore, #tpu.memory_space<semaphore_mem>>) src(%arg3 : memref<1x64xf32, #tpu.memory_space<hbm>>) dst(%arg7 : memref<1x64xf32, #tpu.memory_space<vmem>>)
      %dma_start3A_46 = arith.constant 0 : i32
      %dma_start3A_47 = tpu.memref_slice %arg5[%squeeze3A, %dma_start3A_46] : memref<1000000x64xf32, #tpu.memory_space<hbm>> -> memref<1x64xf32, #tpu.memory_space<hbm>>
      %dma_start3A_48 = arith.constant 0 : i32
      %dma_start3A_49 = tpu.memref_slice %arg5[%squeeze3A, %dma_start3A_48] : memref<1000000x64xf32, #tpu.memory_space<hbm>> -> memref<1x64xf32, #tpu.memory_space<hbm>>
      tpu.enqueue_dma source(%arg7 : memref<1x64xf32, #tpu.memory_space<vmem>>) target(%dma_start3A_49 : memref<1x64xf32, #tpu.memory_space<hbm>>) target_semaphore(%arg10 : memref<!tpu.dma_semaphore, #tpu.memory_space<semaphore_mem>>)
      %dma_wait3A_50 = arith.constant 0 : i32
      %dma_wait3A_51 = tpu.memref_slice %arg5[%squeeze3A, %dma_wait3A_50] : memref<1000000x64xf32, #tpu.memory_space<hbm>> -> memref<1x64xf32, #tpu.memory_space<hbm>>
      %dma_wait3A_52 = arith.constant 0 : i32
      %dma_wait3A_53 = tpu.memref_slice %arg5[%squeeze3A, %dma_wait3A_52] : memref<1000000x64xf32, #tpu.memory_space<hbm>> -> memref<1x64xf32, #tpu.memory_space<hbm>>
      tpu.wait_dma2 semaphore(%arg10 : memref<!tpu.dma_semaphore, #tpu.memory_space<semaphore_mem>>) src(%arg7 : memref<1x64xf32, #tpu.memory_space<vmem>>) dst(%dma_wait3A_53 : memref<1x64xf32, #tpu.memory_space<hbm>>)
    } else {
    }
    return
  }
}

</mosaic_0001>

<sc_bundles>
// kernel: kernel.3.cloned.1.call-start
scs
__scs_entry_jumppad:
0x0: {  	(pc) =	sbr.rel $0x88, $3  }
0x1: {  	(tag) =	ssettag $0x0;
	lr =	simm.s32 $0x1  }
0x2: {  	[smem:$0x3F9E] =	sst lr;
	_ =	strace $0xD0000000  }
0x3: {  	_ = 	snop  }
0x4: {  	_ = 	snop  }
0x5: {  	_ = 	snop  }
0x6: {  	_ = 	snop  }
0x7: {  	_ = 	snop  }
__scs_overlays_trampoline_lowered:
0x8: {  	[smem:$0x3FAD] =	sst s0  }
0x9: {  	[smem:$0x3FAE] =	sst s1  }
0xa: {  	[smem:$0x3FAF] =	sst s2  }
0xb: {  	[smem:$0x3FB0] =	sst s3  }
0xc: {  	[smem:$0x3FB1] =	sst s4  }
0xd: {  	[smem:$0x3FB2] =	sst s5  }
0xe: {  	[smem:$0x3FB3] =	sst s6  }
0xf: {  	[smem:$0x3FB4] =	sst s7  }
0x10: {  	[smem:$0x3FB5] =	sst s8  }
0x11: {  	[smem:$0x3FB6] =	sst s9;
	s0 =	simm.s32 @!p0 $0x0  }
0x12: {  	s1 =	sld [smem:$0x3F9C];
	s0 =	simm.s32 @p0 $0x1  }
0x13: {  	[smem:$0x3FB7] =	sst s0;
	s0 =	simm.s32 @!p1 $0x0  }
0x14: {  	s2 =	sld [smem:$0x3F9B];
	s0 =	simm.s32 @p1 $0x1  }
0x15: {  	[smem:$0x3FB8] =	sst s0;
	s0 =	simm.s32 @!p2 $0x0  }
0x16: {  	s3 =	sld [smem:$0x3FDB];
	s0 =	simm.s32 @p2 $0x1  }
0x17: {  	s4 =	simm.s32 $0x1BF5;
	[smem:$0x3FBA] =	sst s0  }
0x18: {  	s0 =	sld [smem:$0x3F9D];
	_ =	swait.ge [sflag:s4], $0x0  }
0x19: {  	s7 =	sld [smem:$0x3F9E]  }
0x1a: {  	s8 =	sadd.s32 $0xFFFFE003, lr  }
0x1b: {  	s9 =	sadd.s32 $0xFFFFFEF7, lr;
	s5 =	simm.s32 $0xFFFFFFFF;
	p2 =	slt.u32 s8, $0xFFFFF086  }
0x1c: {  	p1 =	slt.u32 s9, $0xF7A;
	s5 =	simm.s32 @!p2 $0x0  }
0x1d: {  	s5 =	simm.s32 @p1 $0x1;
	p0 =	seq.s32 s7, s2  }
0x1e: {  	s7 =	smul.u32 @!p0 $0xF7A, s2;
	p2 =	seq.s32 @!p0 s5, $0x0  }
0x1f: {  	s9 =	smul.u32 $0xF7A, s1;
	s8 =	simm.s32 @!p0 $0x1BF5;
	p2 =	por !p2, p0  }
0x20: {  	[sflag:s8] =	ssyncset.s32 @!p0 $0xFFFFF086;
	s6 =	sadd.s32 @!p0 s3, s7;
	s7 =	simm.s32 @!p0 $0x108  }
0x21: {  	s3 =	sadd.s32 s3, s9;
	s6 =	sadd.s32 @!p0 $0x88, s6;
	s7 =	simm.s32 @p2 $0x1082  }
0x22: {  	[simem:s7], [sflag:s8] =	dma.local @!p0 [hbm:s6], $0xF7A  }
0x23: {  	s9 =	sor.u32 $0xD0000000, s2;
	s6 =	simm.s32 $0x108;
	_ =	swait.ge @!p0 [sflag:s8], $0x0  }
0x24: {  	s3 =	sadd.s32 $0x88, s3;
	s6 =	simm.s32 @!p1 $0x1082;
	[sflag:s4] =	ssyncset.s32 $0xFFFFF086  }
0x25: {  	[simem:s6], [sflag:s4] =	dma.local [hbm:s3], $0xF7A  }
0x26: {  	[smem:$0x3F9E] =	sst s1;
	(tag) =	ssettag s2;
	_ =	strace s9  }
0x27: {  	s1 =	sld [smem:$0x3FAE]  }
0x28: {  	s2 =	sld [smem:$0x3FAF]  }
0x29: {  	s4 =	sld [smem:$0x3FB1]  }
0x2a: {  	p0 =	seq.s32 s5, $0x0;
	s5 =	sld [smem:$0x3FB2]  }
0x2b: {  	s6 =	sld [smem:$0x3FB3]  }
0x2c: {  	s7 =	sld [smem:$0x3FB4]  }
0x2d: {  	s3 =	simm.s32 $0x108;
	s8 =	sld [smem:$0x3FB5]  }
0x2e: {  	s3 =	simm.s32 @!p0 $0x1082;
	s9 =	sld [smem:$0x3FB6]  }
0x2f: {  	lr =	sadd.s32 s0, s3;
	s0 =	sld [smem:$0x3FAD]  }
0x30: {  	s3 =	sld [smem:$0x3FB0]  }
0x31: {  	[smem:$0x3FB9] =	sst s10  }
0x32: {  	s10 =	sld [smem:$0x3FB7];
	_ =	sdelay $0x3  }
0x33: {  	p0 =	seq.s32 s10, $0x1;
	s10 =	sld [smem:$0x3FB9];
	_ =	sdelay $0x3  }
0x34: {  	[smem:$0x3FB9] =	sst s10  }
0x35: {  	s10 =	sld [smem:$0x3FB8];
	_ =	sdelay $0x3  }
0x36: {  	p1 =	seq.s32 s10, $0x1;
	s10 =	sld [smem:$0x3FB9];
	_ =	sdelay $0x3  }
0x37: {  	[smem:$0x3FB9] =	sst s10  }
0x38: {  	s10 =	sld [smem:$0x3FBA]  }
0x39: {  	_ = 	snop;
	(pc) =	sbr.ind lr, $3  }
0x3a: {  	_ = 	snop  }
0x3b: {  	_ = 	snop  }
0x3c: {  	p2 =	seq.s32 s10, $0x1;
	s10 =	sld [smem:$0x3FB9]  }
0x3d: {  	_ =	shalt  }
0x3e: {  	_ =	shalt  }
0x3f: {  	_ =	shalt  }
0x40: {  	_ =	shalt  }
0x41: {  	_ =	shalt  }
0x42: {  	_ =	shalt  }
0x43: {  	_ =	shalt  }
0x44: {  	_ =	shalt  }
0x45: {  	_ =	shalt  }
0x46: {  	_ =	shalt  }
0x47: {  	_ =	shalt  }
0x48: {  	_ =	shalt  }
0x49: {  	_ =	shalt  }
0x4a: {  	_ =	shalt  }
0x4b: {  	_ =	shalt  }
0x4c: {  	_ =	shalt  }
0x4d: {  	_ =	shalt  }
0x4e: {  	_ =	shalt  }
0x4f: {  	_ =	shalt  }
0x50: {  	_ =	shalt  }
0x51: {  	_ =	shalt  }
0x52: {  	_ =	shalt  }
0x53: {  	_ =	shalt  }
0x54: {  	_ =	shalt  }
0x55: {  	_ =	shalt  }
0x56: {  	_ =	shalt  }
0x57: {  	_ =	shalt  }
0x58: {  	_ =	shalt  }
0x59: {  	_ =	shalt  }
0x5a: {  	_ =	shalt  }
0x5b: {  	_ =	shalt  }
0x5c: {  	_ =	shalt  }
0x5d: {  	_ =	shalt  }
0x5e: {  	_ =	shalt  }
0x5f: {  	_ =	shalt  }
0x60: {  	_ =	shalt  }
0x61: {  	_ =	shalt  }
0x62: {  	_ =	shalt  }
0x63: {  	_ =	shalt  }
0x64: {  	_ =	shalt  }
0x65: {  	_ =	shalt  }
0x66: {  	_ =	shalt  }
0x67: {  	_ =	shalt  }
0x68: {  	_ =	shalt  }
0x69: {  	_ =	shalt  }
0x6a: {  	_ =	shalt  }
0x6b: {  	_ =	shalt  }
0x6c: {  	_ =	shalt  }
0x6d: {  	_ =	shalt  }
0x6e: {  	_ =	shalt  }
0x6f: {  	_ =	shalt  }
0x70: {  	_ =	shalt  }
0x71: {  	_ =	shalt  }
0x72: {  	_ =	shalt  }
0x73: {  	_ =	shalt  }
0x74: {  	_ =	shalt  }
0x75: {  	_ =	shalt  }
0x76: {  	_ =	shalt  }
0x77: {  	_ =	shalt  }
0x78: {  	_ =	shalt  }
0x79: {  	_ =	shalt  }
0x7a: {  	_ =	shalt  }
0x7b: {  	_ =	shalt  }
0x7c: {  	_ =	shalt  }
0x7d: {  	_ =	shalt  }
0x7e: {  	_ =	shalt  }
0x7f: {  	_ =	shalt  }
0x80: {  	_ =	shalt  }
0x81: {  	_ =	shalt  }
0x82: {  	_ =	shalt  }
0x83: {  	_ =	shalt  }
0x84: {  	_ =	shalt  }
0x85: {  	_ =	shalt  }
0x86: {  	_ =	shalt  }
0x87: {  	_ =	shalt  }
.Lfunc_end0:
.L_simem_size_0:
called_computation_lowered:
.L_overlay_start_0:
0x88: {  	s2 =	sld [smem:$0x3FD9]  }
0x89: {  	s3 =	sld [smem:$0x3FFE];
	_ =	sdelay $0x1  }
0x8a: {  	s1 =	srdreg.scid  }
0x8b: {  	s0 =	sand.u32 $0x1, s1  }
0x8c: {  	s17 =	sshll.u32 s0, $0xA;
	s2 =	sadd.s32 s3, s2  }
0x8d: {  	s2 =	sadd.s32 s2, s17  }
0x8e: {  	[smem:$0x3FC5] =	sst s2  }
0x8f: {  	_ = 	snop  }
0x90: {  	s2 =	sld [smem:$0x3FC8]  }
0x91: {  	s18 =	sld [smem:$0x3FC7];
	(tm) =	ssettm $0x1  }
0x92: {  	s4 =	sld [smem:$0x3FFB];
	_ =	sdelay $0x3  }
0x93: {  	_ =	strace s4  }
0x94: {  	s4 =	sld [smem:$0x3FFC];
	_ =	sdelay $0x3  }
0x95: {  	_ =	strace s4  }
0x96: {  	s4 =	sld [smem:$0x3FFD];
	_ =	sdelay $0x3  }
0x97: {  	_ =	strace s4  }
0x98: {  	_ =	strace $0x8FFFFFFF  }
0x99: {  	s19 =	sld [smem:$0x3FDB];
	_ =	sdelay $0x1  }
0x9a: {  	s5 =	simm.s32 $_scs_section_size  }
0x9b: {  	s6 =	simm.s32 $_size__tile_overlayer_lowered;
	s7 =	simm.s32 $_tile_overlayer_lowered  }
0x9c: {  	s22 =	simm.s32 $0x1BFF;
	s21 =	sshll.u32 s7, $0x1;
	s4 =	sadd.s32 s5, s19  }
0x9d: {  	s8 =	simm.s32 $0x0;
	s20 =	sshll.u32 s6, $0x1;
	s6 =	sadd.s32 s21, s4  }
0x9e: {  	[timem:s8], [sflag:s22] =	dma.local [hbm:s6], s20  }
0x9f: {  	_ =	swait.ge [sflag:s22], s20  }
0xa0: {  	s5 =	ssub.s32 $0x0, s20;
	[sflag:s22] =	ssyncset.done $0x0  }
0xa1: {  	[sflag:s22] =	ssyncadd.s32 s5;
	_ =	sdelay $0x1  }
0xa2: {  	s23 =	simm.s32 $0x1B8B  }
0xa3: {  	_ =	swait.ge [sflag:s23], $0x1  }
0xa4: {  	[sflag:s23] =	ssyncset.done $0x0  }
0xa5: {  	s25 =	simm.s32 $0x1B8E;
	s24 =	sld [smem:$0x3FFE];
	[sflag:s23] =	ssyncadd.s32 $0xFFFFFFFF  }
0xa6: {  	s26 =	simm.s32 $execute0_lowered;
	[smem:$0x3FD2] =	sst s25  }
0xa7: {  	s6 =	sshll.u32 s26, $0x1;
	_ =	strace $0x80000046;
	[dreg:$0x1] =	wrdreg $0xFFFFFFFF  }
0xa8: {  	s28 =	simm.s32 $_size_execute0_lowered;
	s4 =	sadd.s32 s4, s6;
	[dreg:$0x0] =	wrdreg $0x0  }
0xa9: {  	s6 =	sshll.u32 s28, $0x1;
	[dreg:$0x2] =	wrdreg s4  }
0xaa: {  	[dreg:$0x3] =	wrdreg s6  }
0xab: {  	[dreg:$0x4] =	wrdreg $0xC0  }
0xac: {  	_ =	task [dreg:s8], $0x5FFFF  }
0xad: {  	[dreg:$0x1] =	wrdreg $0xFFFFFFFF  }
0xae: {  	[dreg:$0x0] =	wrdreg $0x60  }
0xaf: {  	[dreg:$0x2] =	wrdreg s24  }
0xb0: {  	[dreg:$0x3] =	wrdreg s2  }
0xb1: {  	[dreg:$0x4] =	wrdreg s18  }
0xb2: {  	[dreg:$0x5] =	wrdreg $0x9  }
0xb3: {  	_ =	task.clear_ibuf [dreg:s8], $0x6FFFF;
	_ =	strace $0x90000046  }
0xb4: {  	s29 =	simm.s32 $0x9;
	_ =	strace $0x80000048  }
0xb5: {  	_ =	swait.ge [sflag:s29], $0x1  }
0xb6: {  	[sflag:s29] =	ssyncadd.s32 $0xFFFFFFFF  }
0xb7: {  	_ =	strace $0x90000048  }
0xb8: {  	_ =	sfence  }
0xb9: {  	s30 =	sld [smem:$0x0];
	_ =	sdelay $0x2  }
0xba: {  	s31 =	sshll.u32 s1, $0xD;
	s1 =	sshrl.u32 s1, $0x2  }
0xbb: {  	s3 =	sand.u32 $0x4000, s31;
	s1 =	sadd.s32 s1, s30  }
0xbc: {  	s0 =	sor.u32 s3, s0;
	s1 =	sshll.u32 s1, $0x11  }
0xbd: {  	s0 =	sor.u32 s1, s0  }
0xbe: {  	s0 =	sadd.s32 $0x8F2B, s0  }
0xbf: {  	[sflag:s0] =	ssyncadd.remote.s32 $0x1  }
0xc0: {  	_ =	sfence.sel $0xFFFF  }
0xc1: {  	[dreg:$0x0] =	wrdreg $0xFFFFFFFF;
	(pc) =	sbr.abs _section_cstart, $3  }
0xc2: {  	[dreg:$0x1] =	wrdreg $0xFFFFFFFF  }
0xc3: {  	_ =	task.clear_ibuf [dreg:s8], $0x2FFFF;
	_ =	strace $0x9FFFFFFF  }
0xc4: {  	(tm) =	ssettm $0x7FFFFFFF  }
0xc5: {  	_ =	shalt  }
tec
execute0_lowered:
.L_overlay_start_1:
0x0: {  	(tag) =	ssettag $0x1  }
0x1: {  	s5 =	rddreg [dreg:$0x0]  }
0x2: {  	s2 =	rddreg [dreg:$0x1]  }
0x3: {  	s3 =	rddreg [dreg:$0x2]  }
0x4: {  	s0 =	rddreg [dreg:$0x3];
	s4 =	simm.s32 $0x0;
	s1 =	stileid.u32  }
0x5: {  	s6 =	srdreg.scid;
	s12 =	simm.s32 $0x0;
	[smem:$0x7FF] =	sst s4  }
0x6: {  	s7 =	smul.u32 $0x7D00, s1;
	s6 =	sand.u32 $0x1, s6;
	s30 =	sshll.u32 s1, $0x1  }
0x7: {  	_ =	strace $0x80000047;
	s8 =	ssub.s32 $0x2, s6;
	s11 =	smul.u32 $0x3E80, s6  }
0x8: {  	s6 =	sor.u32 s6, s30;
	s9 =	sadd.s32 s7, s5;
	s10 =	sshrl.u32 s8, $0x1  }
0x9: {  	s5 =	sadd.s32 $0xF42800, s5;
	s8 =	ssub.s32 s8, s10;
	s9 =	sadd.s32 s11, s9  }
0xa: {  	s31 =	sadd.s32 s7, s5;
	s10 =	simm.s32 $0x1F480;
	s7 =	smax.u32 s8, $0x1  }
0xb: {  	s8 =	sadd.s32 $0x400, s9;
	s9 =	sadd.s32 s11, s31;
	s11 =	simm.s32 $0x2  }
.LBB2_1:
0xc: {  	p0 =	sgt.u32 s6, $0x3E7  }
0xd: {  	s14 =	sadd.s32 @!p0 $0x0, s8;
	s15 =	simm.s32 @!p0 $0x0;
	s13 =	simm.s32 @!p0 $0x1  }
0xe: {  	[tilespmem:s15], [sflag:$0x1] =	stream.linear.gather @!p0 [hbm4b:s14+s15], $0x1F400, $0x38;
	[tilespmem:$0x1F500] =	vst v63  }
0xf: {  	_ =	swait.ge @!p0 [sflag:s13], $0x1F400  }
0x10: {  	[sflag:s13] =	ssyncset.done @!p0 $0x0;
	p0 =	por p0, p0  }
0x11: {  	[sflag:s13] =	ssyncadd.s32 @!p0 $0xFFFE0C00;
	s14 =	sadd.s32 @!p0 $0x0, s9  }
0x12: {  	[hbm4b:s14+s15] =	stream.linear.scatter @!p0 [tilespmem:s15], [sflag:$0x1], $0x1F400, $0x38;
	[tilespmem:$0x1F500] =	vst v63  }
0x13: {  	s16 =	simm.s32 $0xFA000;
	s15 =	sadd.s32 $0x20, s6  }
0x14: {  	s14 =	simm.s32 $0x7D000;
	p1 =	sgt.u32 s15, $0x3E7;
	_ =	swait.ge @!p0 [sflag:s13], $0x1F400  }
.LBB2_2:
0x15: {  	s17 =	sadd.s32 @!p1 s14, s8;
	s18 =	simm.s32 @!p1 $0x0  }
0x16: {  	[sflag:s13] =	ssyncset.done @!p0 $0x0;
	s19 =	smov.u32 s16;
	s16 =	sadd.s32 $0x7D000, s16  }
0x17: {  	[sflag:s13] =	ssyncadd.s32 @!p0 $0xFFFE0C00;
	s13 =	simm.s32 @!p1 $0x1;
	p2 =	sne.s32 s16, $0xFA0000  }
0x18: {  	[tilespmem:s18], [sflag:$0x1] =	stream.linear.gather @!p1 [hbm4b:s17+s18], $0x1F400, $0x38;
	[tilespmem:$0x1F500] =	vst v63  }
.Ltmp0:
0x19: {  	_ =	swait.ge @!p1 [sflag:s13], $0x1F400;
	(pc) =	sbr.rel @p2 .LBB2_2-.Ltmp0, $4  }
0x1a: {  	p0 =	por p1, p1;
	[sflag:s13] =	ssyncset.done @!p1 $0x0  }
0x1b: {  	s15 =	sadd.s32 $0x20, s15;
	s14 =	sadd.s32 @!p0 s14, s9;
	[sflag:s13] =	ssyncadd.s32 @!p0 $0xFFFE0C00  }
0x1c: {  	[hbm4b:s14+s18] =	stream.linear.scatter @!p0 [tilespmem:s18], [sflag:$0x1], $0x1F400, $0x38;
	[tilespmem:$0x1F500] =	vst v63  }
0x1d: {  	p1 =	sgt.u32 s15, $0x3E7;
	s14 =	smov.u32 s19;
	_ =	swait.ge @!p0 [sflag:s13], $0x1F400  }
0x1e: {  	s15 =	sadd.s32 @!p1 s14, s8;
	[sflag:s13] =	ssyncset.done @!p0 $0x0  }
0x1f: {  	s16 =	simm.s32 @!p1 $0x0;
	s17 =	simm.s32 @!p1 $0x1;
	[sflag:s13] =	ssyncadd.s32 @!p0 $0xFFFE0C00  }
0x20: {  	[tilespmem:s16], [sflag:$0x1] =	stream.linear.gather @!p1 [hbm4b:s15+s16], $0x1F400, $0x38;
	[tilespmem:$0x1F500] =	vst v63  }
0x21: {  	_ =	swait.ge @!p1 [sflag:s17], $0x1F400  }
0x22: {  	p0 =	por p1, p1;
	[sflag:s17] =	ssyncset.done @!p1 $0x0  }
0x23: {  	s13 =	sadd.s32 @!p0 s14, s9;
	[sflag:s17] =	ssyncadd.s32 @!p0 $0xFFFE0C00  }
0x24: {  	[hbm4b:s13+s16] =	stream.linear.scatter @!p0 [tilespmem:s16], [sflag:$0x1], $0x1F400, $0x38;
	[tilespmem:$0x1F500] =	vst v63  }
0x25: {  	_ =	swait.ge @!p0 [sflag:s17], $0x1F400  }
0x26: {  	[sflag:s17] =	ssyncset.done @!p0 $0x0  }
0x27: {  	[sflag:s17] =	ssyncadd.s32 @!p0 $0xFFFE0C00  }
0x28: {  	[tilespmem:s10], [sflag:$0x2] =	stream.linear.gather [hbm4b:s3+s4], $0x1, $0x38;
	[tilespmem:$0x1F500] =	vst v63  }
0x29: {  	_ =	swait.ge [sflag:s11], $0x1  }
0x2a: {  	[sflag:s11] =	ssyncset.done $0x0  }
0x2b: {  	[sflag:s11] =	ssyncadd.s32 $0xFFFFFFFF  }
0x2c: {  	v0 =	vld [tilespmem:$0x1F480];
	_ =	sdelay $0x4  }
0x2d: {  	(v2sf) =	vpush v0, $0x0;
	_ =	sdelay $0xe  }
0x2e: {  	s13 =	spop (v2sf)  }
0x2f: {  	s29 =	smulhi.u32 $0x10624DD3, s13;
	s30 =	sshra.s32 s13, $0x1F  }
0x30: {  	s15 =	smul.u32 $0x10624DD3, s30;
	_ =	sdelay $0x1  }
0x31: {  	s14 =	sadd.s32 s15, s29  }
0x32: {  	s15 =	sshrl.u32 s14, $0x1F;
	s14 =	sshra.s32 s14, $0x6  }
0x33: {  	s14 =	sadd.s32 s15, s14  }
0x34: {  	s15 =	smul.u32 $0xFFFFFC18, s14  }
0x35: {  	s31 =	ssub.s32 $0x0, s13  }
0x36: {  	p5 =	slt.s32 s13, $0x1;
	p6 =	sne.s32 s15, s31  }
0x37: {  	p0 =	por !p5, !p6  }
0x38: {  	s15 =	simm.s32 $0x1;
	p0 =	por !p0, !p0  }
0x39: {  	s15 =	simm.s32 @!p0 $0x0  }
0x3a: {  	s14 =	ssub.s32 s14, s15  }
0x3b: {  	s14 =	sand.u32 $0x1F, s14  }
0x3c: {  	p0 =	sne.s32 s6, s14  }
0x3d: {  	s14 =	simm.s32 @!p0 $0x0;
	s15 =	simm.s32 @!p0 $0x1F400;
	s16 =	simm.s32 @!p0 $0x2  }
0x3e: {  	[tilespmem:s15], [sflag:$0x2] =	stream.linear.gather @!p0 [hbm4b:s2+s14], $0x80, $0x38;
	[tilespmem:$0x1F500] =	vst v63  }
0x3f: {  	s12 =	sadd.s32 $0x1, s12;
	s13 =	sshll.u32 @!p0 s13, $0x4;
	_ =	swait.ge @!p0 [sflag:s16], $0x80  }
0x40: {  	p1 =	sne.s32 s12, s7;
	s13 =	sand.u32 @!p0 $0x1FFFFFF0, s13;
	[sflag:s16] =	ssyncset.done @!p0 $0x0  }
.Ltmp1:
0x41: {  	s13 =	sadd.s32 @!p0 s5, s13;
	[sflag:s16] =	ssyncadd.s32 @!p0 $0xFFFFFF80;
	(pc) =	sbr.rel @p1 .LBB2_1-.Ltmp1, $4  }
0x42: {  	[hbm4b:s13+s14] =	stream.linear.scatter @!p0 [tilespmem:s15], [sflag:$0x2], $0x80, $0x38;
	[tilespmem:$0x1F500] =	vst v63  }
0x43: {  	_ =	swait.ge @!p0 [sflag:s16], $0x80  }
0x44: {  	[sflag:s16] =	ssyncset.done @!p0 $0x0  }
0x45: {  	[sflag:s16] =	ssyncadd.s32 @!p0 $0xFFFFFF80  }
0x46: {  	_ =	sfence.sel $0x180000  }
0x47: {  	[bflag:$0x0] =	sbarrier.arrive $0xFFFF  }
0x48: {  	p0 =	sne.s32 s1, $0x0;
	_ =	strace $0x90000047  }
0x49: {  	s0 =	sadd.s32 @!p0 $0x100000, s0;
	[bflag:$0x2] =	sbarrier.arrive $0xFFFF  }
0x4a: {  	[sflag:s0] =	ssyncadd.tile.s32 @!p0 $0x1;
	_ =	shalt  }
.Lfunc_end2:
_tile_overlayer_lowered:
.L_overlay_start_2:
0x4b: {  	(tag) =	ssettag $0x2  }
0x4c: {  	s0 =	rddreg [dreg:$0x0];
	s2 =	stileid.u32  }
0x4d: {  	s1 =	rddreg [dreg:$0x1];
	p0 =	sne.s32 s2, $0x0  }
0x4e: {  	s3 =	rddreg [dreg:$0x2];
	[bflag:$0x3] =	sbarrier.arrive $0xFFFF;
	s2 =	simm.s32 @!p0 $0x1C03  }
0x4f: {  	[timem:s3], [sflag:s2] =	dma.local @!p0 [hbm:s0], s1  }
0x50: {  	s0 =	simm.s32 @!p0 $0x3  }
0x51: {  	_ =	swait.ge @!p0 [sflag:s0], s1  }
0x52: {  	s1 =	ssub.s32 @!p0 $0x0, s1;
	[sflag:s0] =	ssyncset.done @!p0 $0x0  }
0x53: {  	[sflag:s0] =	ssyncadd.s32 @!p0 s1  }
0x54: {  	[bflag:$0x3] =	sbarrier.arrive $0xFFFF  }
0x55: {  	_ =	shalt  }

</sc_bundles>
